<compile_context>
chip_gen: v7x
topology: tpu7x:2x2x1
jax: 0.10.2.dev20260603
libtpu: 0.0.44.dev20260713+nightly
codegen_flags: <defaults>
</compile_context>

<pallas_src>
import functools

import jax
import jax.numpy as jnp
from jax import lax
from jax.experimental import pallas as pl
from jax.experimental.pallas import tpu as pltpu
from jax.experimental.pallas import tpu_sc as plsc

_N_BINS = 51
_D = 768
_BLK = 1024
_SC_BLOCKS = 1
_N_BLOCKS = 32


@functools.partial(jax.jit, static_argnames=("n_tokens",))
def _sc_lookup(flat_values, table, *, n_tokens):
    info = plsc.get_sparse_core_info()
    nc, ns, lanes = 1, info.num_subcores, info.num_lanes
    nw = nc * ns
    bpw = n_tokens // nw
    chunk = min(64, bpw)
    n_chunks = bpw // chunk

    mesh = plsc.VectorSubcoreMesh(
        core_axis_name="c", subcore_axis_name="s", num_cores=1)

    @functools.partial(
        pl.kernel,
        mesh=mesh,
        out_type=jax.ShapeDtypeStruct((n_tokens, _D), jnp.float32),
        scratch_types=[
            pltpu.VMEM((bpw,), jnp.float32),
            pltpu.VMEM((bpw,), jnp.int32),
            pltpu.VMEM((2, chunk, _D), jnp.float32),
            pltpu.SemaphoreType.DMA,
            pltpu.SemaphoreType.DMA,
        ],
    )
    def sc_kernel(vals_hbm, table_hbm, out_hbm, vals_v, idx_v, rows_v,
                  sem_g, sem_o):
        wid = lax.axis_index("s") * nc + lax.axis_index("c")
        base = wid * bpw
        pltpu.sync_copy(vals_hbm.at[pl.ds(base, bpw)], vals_v)

        def cvt(i, carry):
            v = vals_v[pl.ds(i * lanes, lanes)]
            b = (v * (_N_BINS - 1)).astype(jnp.int32)
            idx_v[pl.ds(i * lanes, lanes)] = jnp.clip(b, 0, _N_BINS - 1)
            return carry

        lax.fori_loop(0, bpw // lanes, cvt, 0, unroll=4)

        def gather(c, buf):
            return pltpu.async_copy(
                table_hbm.at[idx_v.at[pl.ds(c * chunk, chunk)]],
                rows_v.at[buf], sem_g)

        h_g = [gather(0, 0), None]
        h_o = [None, None]
        for c in range(n_chunks):
            buf, nbuf = c & 1, (c + 1) & 1
            if c + 1 < n_chunks:
                if h_o[nbuf] is not None:
                    h_o[nbuf].wait()
                h_g[nbuf] = gather(c + 1, nbuf)
            h_g[buf].wait()
            h_o[buf] = pltpu.async_copy(
                rows_v.at[buf], out_hbm.at[pl.ds(base + c * chunk, chunk)],
                sem_o)
        for h in h_o:
            if h is not None:
                h.wait()

    return sc_kernel(flat_values, table)


def _tc_body(v_ref, t_ref, o_ref):
    v = v_ref[0, 0, :]
    b = jnp.clip((v * (_N_BINS - 1)).astype(jnp.int32), 0, _N_BINS - 1)
    iota = lax.broadcasted_iota(jnp.int32, (_BLK, _N_BINS), 1)
    oh = (b[:, None] == iota).astype(jnp.float32)
    o_ref[0] = jnp.dot(oh, t_ref[...], preferred_element_type=jnp.float32)


def _tc_lookup(vals3d, table_pad):
    n_blocks = vals3d.shape[0]
    return pl.pallas_call(
        _tc_body,
        grid=(n_blocks,),
        in_specs=[
            pl.BlockSpec((1, 1, _BLK), lambda i: (i, 0, 0)),
            pl.BlockSpec((_N_BINS, _D), lambda i: (0, 0)),
        ],
        out_specs=pl.BlockSpec((1, _BLK, _D), lambda i: (i, 0, 0)),
        out_shape=jax.ShapeDtypeStruct((_N_BLOCKS, _BLK, _D), jnp.float32),
    )(vals3d, table_pad)


def _merge_body(big_ref, sc_ref, o_ref):
    del big_ref
    o_ref[0] = sc_ref[0]


def _merge(big, sc3d):
    n_tc = _N_BLOCKS - _SC_BLOCKS
    return pl.pallas_call(
        _merge_body,
        grid=(_SC_BLOCKS,),
        in_specs=[
            pl.BlockSpec(memory_space=pl.ANY),
            pl.BlockSpec((1, _BLK, _D), lambda i: (i, 0, 0)),
        ],
        out_specs=pl.BlockSpec((1, _BLK, _D), lambda i: (n_tc + i, 0, 0)),
        out_shape=jax.ShapeDtypeStruct((_N_BLOCKS, _BLK, _D), jnp.float32),
        input_output_aliases={0: 0},
    )(big, sc3d)


def kernel(values, embedding_weight):
    batch, seq = values.shape
    n = batch * seq
    n_sc = _SC_BLOCKS * _BLK
    flat = values.reshape(n)

    out_sc = _sc_lookup(flat[n - n_sc:], embedding_weight, n_tokens=n_sc)

    vals3d = flat[: n - n_sc].reshape((n - n_sc) // _BLK, 1, _BLK)
    out_tc = _tc_lookup(vals3d, embedding_weight)

    out = _merge(out_tc, out_sc.reshape(_SC_BLOCKS, _BLK, _D))
    return out.reshape(batch, seq, _D)

# --- scband reference (transcript-rebuilt; emitter-appended) ---
"""Pipeline reference for scband-expression-value-binned-49125835931814 (READ-ONLY COPY).

The authoritative reference and input builder live on the scoring server;
editing this copy changes nothing except your own understanding.
"""

import jax, jax.numpy as jnp
import numpy as np

N_BINS = 51
D_MODEL = 768

def setup_inputs(seed: int = 0) -> dict:
    key = jax.random.key(seed)
    k1, k2 = jax.random.split(key)
    values = jax.random.uniform(k1, (4, 8192), dtype=jnp.float32)
    # nn.Embedding default init: N(0, 1)
    embedding_weight = jax.random.normal(k2, (N_BINS, D_MODEL), dtype=jnp.float32)
    return {"values": values, "embedding_weight": embedding_weight}

def reference(values, embedding_weight):
    # Faithful translation of _ExpressionValueBinned.forward
    bin_ids = jnp.clip((values * (N_BINS - 1)).astype(jnp.int32), 0, N_BINS - 1)
    out = jnp.take(embedding_weight, bin_ids, axis=0)  # (batch, seq_len, d_model)
    return out

if __name__ == "__main__":
    import jax
    _d = setup_inputs()
    print(jax.jit(kernel)(*tuple(_d.values())))

</pallas_src>

<mosaic_0001>
#map = affine_map<(d0, d1) -> (0)>
#map1 = affine_map<(d0, d1) -> (0, 0)>
module attributes {stable_mosaic.version = 14 : i64} {
  func.func @sc_kernel(%arg0: i32, %arg1: i32, %arg2: memref<1024xf32, #tpu.memory_space<hbm>>, %arg3: memref<51x768xf32, #tpu.memory_space<hbm>>, %arg4: memref<1024x768xf32, #tpu.memory_space<hbm>>, %arg5: memref<64xf32, #tpu.memory_space<vmem>>, %arg6: memref<64xi32, #tpu.memory_space<vmem>>, %arg7: memref<2x64x768xf32, #tpu.memory_space<vmem>>, %arg8: memref<!tpu.dma_semaphore, #tpu.memory_space<semaphore_mem>>, %arg9: memref<!tpu.dma_semaphore, #tpu.memory_space<semaphore_mem>>) attributes {dimension_semantics = [#tpu.dimension_semantics<core_parallel>, #tpu.dimension_semantics<subcore_parallel>], iteration_bounds = array<i64: 1, 16>, scalar_prefetch = 0 : i64, scratch_operands = 5 : i64, tpu.core_type = #tpu.core_type<sc_vector_subcore>, window_params = [{transform_indices = #map}, {transform_indices = #map1}, {transform_indices = #map1}]} {
    %mul3A = arith.constant 1 : i32
    %mul3A_0 = arith.muli %arg1, %mul3A : i32
    %add3A = arith.addi %mul3A_0, %arg0 : i32
    %mul3A_1 = arith.constant 64 : i32
    %mul3A_2 = arith.muli %add3A, %mul3A_1 : i32
    "tpu.region"() ({
      %run_scoped3A = tpu.sem_alloc : memref<!tpu.dma_semaphore, #tpu.memory_space<semaphore_mem>>
      %dma_start3A_132 = tpu.memref_slice %arg2[%mul3A_2] : memref<1024xf32, #tpu.memory_space<hbm>> -> memref<64xf32, #tpu.memory_space<hbm>>
      %dma_start3A_133 = tpu.memref_slice %arg2[%mul3A_2] : memref<1024xf32, #tpu.memory_space<hbm>> -> memref<64xf32, #tpu.memory_space<hbm>>
      tpu.enqueue_dma source(%dma_start3A_133 : memref<64xf32, #tpu.memory_space<hbm>>) target(%arg5 : memref<64xf32, #tpu.memory_space<vmem>>) target_semaphore(%run_scoped3A : memref<!tpu.dma_semaphore, #tpu.memory_space<semaphore_mem>>)
      %dma_wait3A_134 = tpu.memref_slice %arg2[%mul3A_2] : memref<1024xf32, #tpu.memory_space<hbm>> -> memref<64xf32, #tpu.memory_space<hbm>>
      %dma_wait3A_135 = tpu.memref_slice %arg2[%mul3A_2] : memref<1024xf32, #tpu.memory_space<hbm>> -> memref<64xf32, #tpu.memory_space<hbm>>
      tpu.wait_dma2 semaphore(%run_scoped3A : memref<!tpu.dma_semaphore, #tpu.memory_space<semaphore_mem>>) src(%dma_wait3A_135 : memref<64xf32, #tpu.memory_space<hbm>>) dst(%arg5 : memref<64xf32, #tpu.memory_space<vmem>>)
      tpu.yield
    }) : () -> ()
    %scan3A = arith.constant 0 : i32
    %scan3A_3 = arith.constant 0 : i32
    %mul3A_4 = arith.constant 16 : i32
    %mul3A_5 = arith.muli %scan3A_3, %mul3A_4 : i32
    %get3A = arith.index_cast %mul3A_5 : i32 to index
    %get3A_6 = tpu.vector_load %arg5[%get3A] {strides = array<i32>} : memref<64xf32, #tpu.memory_space<vmem>>, vector<16xf32>,
    %get3A_7 = vector.shape_cast %get3A_6 : vector<16xf32> to vector<16xf32>
    %mul3A_8 = arith.constant 5.000000e+01 : f32
    %mul3A_9 = vector.broadcast %mul3A_8 : f32 to vector<16xf32>
    %mul3A_10 = arith.mulf %get3A_7, %mul3A_9 : vector<16xf32>
    %convert_element_type3A = arith.fptosi %mul3A_10 : vector<16xf32> to vector<16xi32>
    %jit3A = arith.constant 0 : i32
    %jit3A_11 = arith.constant 50 : i32
    %max3A = vector.broadcast %jit3A : i32 to vector<16xi32>
    %max3A_12 = arith.maxsi %max3A, %convert_element_type3A : vector<16xi32>
    %min3A = vector.broadcast %jit3A_11 : i32 to vector<16xi32>
    %min3A_13 = arith.minsi %min3A, %max3A_12 : vector<16xi32>
    %mul3A_14 = arith.constant 16 : i32
    %mul3A_15 = arith.muli %scan3A_3, %mul3A_14 : i32
    %swap3A = arith.index_cast %mul3A_15 : i32 to index
    %swap3A_16 = tpu.vector_load %arg6[%swap3A] {strides = array<i32>} : memref<64xi32, #tpu.memory_space<vmem>>, vector<16xi32>,
    %swap3A_17 = vector.shape_cast %swap3A_16 : vector<16xi32> to vector<16xi32>
    %swap3A_18 = vector.shape_cast %min3A_13 : vector<16xi32> to vector<16xi32>
    tpu.vector_store %arg6[%swap3A], %swap3A_18 {strides = array<i32>} : memref<64xi32, #tpu.memory_space<vmem>>, vector<16xi32>,
    %scan3A_19 = arith.constant 1 : i32
    %mul3A_20 = arith.constant 16 : i32
    %mul3A_21 = arith.muli %scan3A_19, %mul3A_20 : i32
    %get3A_22 = arith.index_cast %mul3A_21 : i32 to index
    %get3A_23 = tpu.vector_load %arg5[%get3A_22] {strides = array<i32>} : memref<64xf32, #tpu.memory_space<vmem>>, vector<16xf32>,
    %get3A_24 = vector.shape_cast %get3A_23 : vector<16xf32> to vector<16xf32>
    %mul3A_25 = arith.constant 5.000000e+01 : f32
    %mul3A_26 = vector.broadcast %mul3A_25 : f32 to vector<16xf32>
    %mul3A_27 = arith.mulf %get3A_24, %mul3A_26 : vector<16xf32>
    %convert_element_type3A_28 = arith.fptosi %mul3A_27 : vector<16xf32> to vector<16xi32>
    %jit3A_29 = arith.constant 0 : i32
    %jit3A_30 = arith.constant 50 : i32
    %max3A_31 = vector.broadcast %jit3A_29 : i32 to vector<16xi32>
    %max3A_32 = arith.maxsi %max3A_31, %convert_element_type3A_28 : vector<16xi32>
    %min3A_33 = vector.broadcast %jit3A_30 : i32 to vector<16xi32>
    %min3A_34 = arith.minsi %min3A_33, %max3A_32 : vector<16xi32>
    %mul3A_35 = arith.constant 16 : i32
    %mul3A_36 = arith.muli %scan3A_19, %mul3A_35 : i32
    %swap3A_37 = arith.index_cast %mul3A_36 : i32 to index
    %swap3A_38 = tpu.vector_load %arg6[%swap3A_37] {strides = array<i32>} : memref<64xi32, #tpu.memory_space<vmem>>, vector<16xi32>,
    %swap3A_39 = vector.shape_cast %swap3A_38 : vector<16xi32> to vector<16xi32>
    %swap3A_40 = vector.shape_cast %min3A_34 : vector<16xi32> to vector<16xi32>
    tpu.vector_store %arg6[%swap3A_37], %swap3A_40 {strides = array<i32>} : memref<64xi32, #tpu.memory_space<vmem>>, vector<16xi32>,
    %scan3A_41 = arith.constant 2 : i32
    %mul3A_42 = arith.constant 16 : i32
    %mul3A_43 = arith.muli %scan3A_41, %mul3A_42 : i32
    %get3A_44 = arith.index_cast %mul3A_43 : i32 to index
    %get3A_45 = tpu.vector_load %arg5[%get3A_44] {strides = array<i32>} : memref<64xf32, #tpu.memory_space<vmem>>, vector<16xf32>,
    %get3A_46 = vector.shape_cast %get3A_45 : vector<16xf32> to vector<16xf32>
    %mul3A_47 = arith.constant 5.000000e+01 : f32
    %mul3A_48 = vector.broadcast %mul3A_47 : f32 to vector<16xf32>
    %mul3A_49 = arith.mulf %get3A_46, %mul3A_48 : vector<16xf32>
    %convert_element_type3A_50 = arith.fptosi %mul3A_49 : vector<16xf32> to vector<16xi32>
    %jit3A_51 = arith.constant 0 : i32
    %jit3A_52 = arith.constant 50 : i32
    %max3A_53 = vector.broadcast %jit3A_51 : i32 to vector<16xi32>
    %max3A_54 = arith.maxsi %max3A_53, %convert_element_type3A_50 : vector<16xi32>
    %min3A_55 = vector.broadcast %jit3A_52 : i32 to vector<16xi32>
    %min3A_56 = arith.minsi %min3A_55, %max3A_54 : vector<16xi32>
    %mul3A_57 = arith.constant 16 : i32
    %mul3A_58 = arith.muli %scan3A_41, %mul3A_57 : i32
    %swap3A_59 = arith.index_cast %mul3A_58 : i32 to index
    %swap3A_60 = tpu.vector_load %arg6[%swap3A_59] {strides = array<i32>} : memref<64xi32, #tpu.memory_space<vmem>>, vector<16xi32>,
    %swap3A_61 = vector.shape_cast %swap3A_60 : vector<16xi32> to vector<16xi32>
    %swap3A_62 = vector.shape_cast %min3A_56 : vector<16xi32> to vector<16xi32>
    tpu.vector_store %arg6[%swap3A_59], %swap3A_62 {strides = array<i32>} : memref<64xi32, #tpu.memory_space<vmem>>, vector<16xi32>,
    %scan3A_63 = arith.constant 3 : i32
    %mul3A_64 = arith.constant 16 : i32
    %mul3A_65 = arith.muli %scan3A_63, %mul3A_64 : i32
    %get3A_66 = arith.index_cast %mul3A_65 : i32 to index
    %get3A_67 = tpu.vector_load %arg5[%get3A_66] {strides = array<i32>} : memref<64xf32, #tpu.memory_space<vmem>>, vector<16xf32>,
    %get3A_68 = vector.shape_cast %get3A_67 : vector<16xf32> to vector<16xf32>
    %mul3A_69 = arith.constant 5.000000e+01 : f32
    %mul3A_70 = vector.broadcast %mul3A_69 : f32 to vector<16xf32>
    %mul3A_71 = arith.mulf %get3A_68, %mul3A_70 : vector<16xf32>
    %convert_element_type3A_72 = arith.fptosi %mul3A_71 : vector<16xf32> to vector<16xi32>
    %jit3A_73 = arith.constant 0 : i32
    %jit3A_74 = arith.constant 50 : i32
    %max3A_75 = vector.broadcast %jit3A_73 : i32 to vector<16xi32>
    %max3A_76 = arith.maxsi %max3A_75, %convert_element_type3A_72 : vector<16xi32>
    %min3A_77 = vector.broadcast %jit3A_74 : i32 to vector<16xi32>
    %min3A_78 = arith.minsi %min3A_77, %max3A_76 : vector<16xi32>
    %mul3A_79 = arith.constant 16 : i32
    %mul3A_80 = arith.muli %scan3A_63, %mul3A_79 : i32
    %swap3A_81 = arith.index_cast %mul3A_80 : i32 to index
    %swap3A_82 = tpu.vector_load %arg6[%swap3A_81] {strides = array<i32>} : memref<64xi32, #tpu.memory_space<vmem>>, vector<16xi32>,
    %swap3A_83 = vector.shape_cast %swap3A_82 : vector<16xi32> to vector<16xi32>
    %swap3A_84 = vector.shape_cast %min3A_78 : vector<16xi32> to vector<16xi32>
    tpu.vector_store %arg6[%swap3A_81], %swap3A_84 {strides = array<i32>} : memref<64xi32, #tpu.memory_space<vmem>>, vector<16xi32>,
    %scan3A_85 = arith.constant 4 : i32
    %dma_start3A = arith.constant 0 : i32
    %dma_start3A_86 = arith.constant 0 : i32
    %dma_start3A_87 = arith.constant 0 : i32
    %dma_start3A_88 = tpu.memref_slice %arg7[%dma_start3A, %dma_start3A_86, %dma_start3A_87] : memref<2x64x768xf32, #tpu.memory_space<vmem>> -> memref<1x64x768xf32, #tpu.memory_space<vmem>>
    %dma_start3A_89 = tpu.memref_squeeze %dma_start3A_88 : memref<1x64x768xf32, #tpu.memory_space<vmem>> -> memref<64x768xf32, #tpu.memory_space<vmem>>
    %dma_start3A_90 = arith.constant 0 : i32
    %dma_start3A_91 = tpu.memref_slice %arg6[%dma_start3A_90] : memref<64xi32, #tpu.memory_space<vmem>> -> memref<64xi32, #tpu.memory_space<vmem>>
    %dma_start3A_92 = arith.constant 0 : i32
    %dma_start3A_93 = arith.constant 0 : i32
    %dma_start3A_94 = tpu.memref_slice %arg3[%dma_start3A_92, %dma_start3A_93] : memref<51x768xf32, #tpu.memory_space<hbm>> -> memref<51x768xf32, #tpu.memory_space<hbm>>
    tpu.enqueue_indirect_dma source(%dma_start3A_94 : memref<51x768xf32, #tpu.memory_space<hbm>>) target(%dma_start3A_89 : memref<64x768xf32, #tpu.memory_space<vmem>>) offsets(%dma_start3A_91 : memref<64xi32, #tpu.memory_space<vmem>>) semaphore(%arg8 : memref<!tpu.dma_semaphore, #tpu.memory_space<semaphore_mem>>)
    %dma_wait3A = arith.constant 0 : i32
    %dma_wait3A_95 = arith.constant 0 : i32
    %dma_wait3A_96 = arith.constant 0 : i32
    %dma_wait3A_97 = tpu.memref_slice %arg7[%dma_wait3A, %dma_wait3A_95, %dma_wait3A_96] : memref<2x64x768xf32, #tpu.memory_space<vmem>> -> memref<1x64x768xf32, #tpu.memory_space<vmem>>
    %dma_wait3A_98 = tpu.memref_squeeze %dma_wait3A_97 : memref<1x64x768xf32, #tpu.memory_space<vmem>> -> memref<64x768xf32, #tpu.memory_space<vmem>>
    %dma_wait3A_99 = arith.constant 0 : i32
    %dma_wait3A_100 = tpu.memref_slice %arg6[%dma_wait3A_99] : memref<64xi32, #tpu.memory_space<vmem>> -> memref<64xi32, #tpu.memory_space<vmem>>
    %dma_wait3A_101 = arith.constant 0 : i32
    %dma_wait3A_102 = arith.constant 0 : i32
    %dma_wait3A_103 = tpu.memref_slice %arg3[%dma_wait3A_101, %dma_wait3A_102] : memref<51x768xf32, #tpu.memory_space<hbm>> -> memref<51x768xf32, #tpu.memory_space<hbm>>
    tpu.wait_indirect_dma semaphore(%arg8 : memref<!tpu.dma_semaphore, #tpu.memory_space<semaphore_mem>>) src(%dma_wait3A_103 : memref<51x768xf32, #tpu.memory_space<hbm>>) dst(%dma_wait3A_98 : memref<64x768xf32, #tpu.memory_space<vmem>>)
    %add3A_104 = arith.constant 0 : i32
    %add3A_105 = arith.addi %mul3A_2, %add3A_104 : i32
    %dma_start3A_106 = arith.constant 0 : i32
    %dma_start3A_107 = arith.constant 0 : i32
    %dma_start3A_108 = arith.constant 0 : i32
    %dma_start3A_109 = tpu.memref_slice %arg7[%dma_start3A_106, %dma_start3A_107, %dma_start3A_108] : memref<2x64x768xf32, #tpu.memory_space<vmem>> -> memref<1x64x768xf32, #tpu.memory_space<vmem>>
    %dma_start3A_110 = tpu.memref_squeeze %dma_start3A_109 : memref<1x64x768xf32, #tpu.memory_space<vmem>> -> memref<64x768xf32, #tpu.memory_space<vmem>>
    %dma_start3A_111 = arith.constant 0 : i32
    %dma_start3A_112 = tpu.memref_slice %arg4[%add3A_105, %dma_start3A_111] : memref<1024x768xf32, #tpu.memory_space<hbm>> -> memref<64x768xf32, #tpu.memory_space<hbm>>
    %dma_start3A_113 = arith.constant 0 : i32
    %dma_start3A_114 = tpu.memref_slice %arg4[%add3A_105, %dma_start3A_113] : memref<1024x768xf32, #tpu.memory_space<hbm>> -> memref<64x768xf32, #tpu.memory_space<hbm>>
    %dma_start3A_115 = arith.constant 0 : i32
    %dma_start3A_116 = arith.constant 0 : i32
    %dma_start3A_117 = tpu.memref_slice %arg7[%dma_start3A_106, %dma_start3A_115, %dma_start3A_116] : memref<2x64x768xf32, #tpu.memory_space<vmem>> -> memref<1x64x768xf32, #tpu.memory_space<vmem>>
    %dma_start3A_118 = tpu.memref_squeeze %dma_start3A_117 : memref<1x64x768xf32, #tpu.memory_space<vmem>> -> memref<64x768xf32, #tpu.memory_space<vmem>>
    tpu.enqueue_dma source(%dma_start3A_118 : memref<64x768xf32, #tpu.memory_space<vmem>>) target(%dma_start3A_114 : memref<64x768xf32, #tpu.memory_space<hbm>>) target_semaphore(%arg9 : memref<!tpu.dma_semaphore, #tpu.memory_space<semaphore_mem>>)
    %dma_wait3A_119 = arith.constant 0 : i32
    %dma_wait3A_120 = arith.constant 0 : i32
    %dma_wait3A_121 = arith.constant 0 : i32
    %dma_wait3A_122 = tpu.memref_slice %arg7[%dma_wait3A_119, %dma_wait3A_120, %dma_wait3A_121] : memref<2x64x768xf32, #tpu.memory_space<vmem>> -> memref<1x64x768xf32, #tpu.memory_space<vmem>>
    %dma_wait3A_123 = tpu.memref_squeeze %dma_wait3A_122 : memref<1x64x768xf32, #tpu.memory_space<vmem>> -> memref<64x768xf32, #tpu.memory_space<vmem>>
    %dma_wait3A_124 = arith.constant 0 : i32
    %dma_wait3A_125 = tpu.memref_slice %arg4[%add3A_105, %dma_wait3A_124] : memref<1024x768xf32, #tpu.memory_space<hbm>> -> memref<64x768xf32, #tpu.memory_space<hbm>>
    %dma_wait3A_126 = arith.constant 0 : i32
    %dma_wait3A_127 = tpu.memref_slice %arg4[%add3A_105, %dma_wait3A_126] : memref<1024x768xf32, #tpu.memory_space<hbm>> -> memref<64x768xf32, #tpu.memory_space<hbm>>
    %dma_wait3A_128 = arith.constant 0 : i32
    %dma_wait3A_129 = arith.constant 0 : i32
    %dma_wait3A_130 = tpu.memref_slice %arg7[%dma_wait3A_119, %dma_wait3A_128, %dma_wait3A_129] : memref<2x64x768xf32, #tpu.memory_space<vmem>> -> memref<1x64x768xf32, #tpu.memory_space<vmem>>
    %dma_wait3A_131 = tpu.memref_squeeze %dma_wait3A_130 : memref<1x64x768xf32, #tpu.memory_space<vmem>> -> memref<64x768xf32, #tpu.memory_space<vmem>>
    tpu.wait_dma2 semaphore(%arg9 : memref<!tpu.dma_semaphore, #tpu.memory_space<semaphore_mem>>) src(%dma_wait3A_131 : memref<64x768xf32, #tpu.memory_space<vmem>>) dst(%dma_wait3A_127 : memref<64x768xf32, #tpu.memory_space<hbm>>)
    return
  }
}

</mosaic_0001>

<sc_bundles>
// kernel: _sc_lookup.3.cloned.1.call-start
scs
__scs_entry_jumppad:
0x0: {  	(pc) =	sbr.rel $0x88, $3  }
0x1: {  	(tag) =	ssettag $0x0;
	lr =	simm.s32 $0x1  }
0x2: {  	[smem:$0x3F9F] =	sst lr;
	_ =	strace $0xD0000000  }
0x3: {  	_ = 	snop  }
0x4: {  	_ = 	snop  }
0x5: {  	_ = 	snop  }
0x6: {  	_ = 	snop  }
0x7: {  	_ = 	snop  }
__scs_overlays_trampoline_lowered:
0x8: {  	[smem:$0x3FAE] =	sst s0  }
0x9: {  	[smem:$0x3FAF] =	sst s1  }
0xa: {  	[smem:$0x3FB0] =	sst s2  }
0xb: {  	[smem:$0x3FB1] =	sst s3  }
0xc: {  	[smem:$0x3FB2] =	sst s4  }
0xd: {  	[smem:$0x3FB3] =	sst s5  }
0xe: {  	[smem:$0x3FB4] =	sst s6  }
0xf: {  	[smem:$0x3FB5] =	sst s7  }
0x10: {  	[smem:$0x3FB6] =	sst s8  }
0x11: {  	[smem:$0x3FB7] =	sst s9;
	s0 =	simm.s32 @!p0 $0x0  }
0x12: {  	s1 =	sld [smem:$0x3F9D];
	s0 =	simm.s32 @p0 $0x1  }
0x13: {  	[smem:$0x3FB8] =	sst s0;
	s0 =	simm.s32 @!p1 $0x0  }
0x14: {  	s2 =	sld [smem:$0x3F9C];
	s0 =	simm.s32 @p1 $0x1  }
0x15: {  	[smem:$0x3FB9] =	sst s0;
	s0 =	simm.s32 @!p2 $0x0  }
0x16: {  	s3 =	sld [smem:$0x3FDB];
	s0 =	simm.s32 @p2 $0x1  }
0x17: {  	s4 =	simm.s32 $0x1BF5;
	[smem:$0x3FBB] =	sst s0  }
0x18: {  	s0 =	sld [smem:$0x3F9E];
	_ =	swait.ge [sflag:s4], $0x0  }
0x19: {  	s7 =	sld [smem:$0x3F9F]  }
0x1a: {  	s8 =	sadd.s32 $0xFFFFE003, lr  }
0x1b: {  	s9 =	sadd.s32 $0xFFFFFEF7, lr;
	s5 =	simm.s32 $0xFFFFFFFF;
	p2 =	slt.u32 s8, $0xFFFFF086  }
0x1c: {  	p1 =	slt.u32 s9, $0xF7A;
	s5 =	simm.s32 @!p2 $0x0  }
0x1d: {  	s5 =	simm.s32 @p1 $0x1;
	p0 =	seq.s32 s7, s2  }
0x1e: {  	s7 =	smul.u32 @!p0 $0xF7A, s2;
	p2 =	seq.s32 @!p0 s5, $0x0  }
0x1f: {  	s9 =	smul.u32 $0xF7A, s1;
	s8 =	simm.s32 @!p0 $0x1BF5;
	p2 =	por !p2, p0  }
0x20: {  	[sflag:s8] =	ssyncset.s32 @!p0 $0xFFFFF086;
	s6 =	sadd.s32 @!p0 s3, s7;
	s7 =	simm.s32 @!p0 $0x108  }
0x21: {  	s3 =	sadd.s32 s3, s9;
	s6 =	sadd.s32 @!p0 $0x88, s6;
	s7 =	simm.s32 @p2 $0x1082  }
0x22: {  	[simem:s7], [sflag:s8] =	dma.local @!p0 [hbm:s6], $0xF7A  }
0x23: {  	s9 =	sor.u32 $0xD0000000, s2;
	s6 =	simm.s32 $0x108;
	_ =	swait.ge @!p0 [sflag:s8], $0x0  }
0x24: {  	s3 =	sadd.s32 $0x88, s3;
	s6 =	simm.s32 @!p1 $0x1082;
	[sflag:s4] =	ssyncset.s32 $0xFFFFF086  }
0x25: {  	[simem:s6], [sflag:s4] =	dma.local [hbm:s3], $0xF7A  }
0x26: {  	[smem:$0x3F9F] =	sst s1;
	(tag) =	ssettag s2;
	_ =	strace s9  }
0x27: {  	s1 =	sld [smem:$0x3FAF]  }
0x28: {  	s2 =	sld [smem:$0x3FB0]  }
0x29: {  	s4 =	sld [smem:$0x3FB2]  }
0x2a: {  	p0 =	seq.s32 s5, $0x0;
	s5 =	sld [smem:$0x3FB3]  }
0x2b: {  	s6 =	sld [smem:$0x3FB4]  }
0x2c: {  	s7 =	sld [smem:$0x3FB5]  }
0x2d: {  	s3 =	simm.s32 $0x108;
	s8 =	sld [smem:$0x3FB6]  }
0x2e: {  	s3 =	simm.s32 @!p0 $0x1082;
	s9 =	sld [smem:$0x3FB7]  }
0x2f: {  	lr =	sadd.s32 s0, s3;
	s0 =	sld [smem:$0x3FAE]  }
0x30: {  	s3 =	sld [smem:$0x3FB1]  }
0x31: {  	[smem:$0x3FBA] =	sst s10  }
0x32: {  	s10 =	sld [smem:$0x3FB8];
	_ =	sdelay $0x3  }
0x33: {  	p0 =	seq.s32 s10, $0x1;
	s10 =	sld [smem:$0x3FBA];
	_ =	sdelay $0x3  }
0x34: {  	[smem:$0x3FBA] =	sst s10  }
0x35: {  	s10 =	sld [smem:$0x3FB9];
	_ =	sdelay $0x3  }
0x36: {  	p1 =	seq.s32 s10, $0x1;
	s10 =	sld [smem:$0x3FBA];
	_ =	sdelay $0x3  }
0x37: {  	[smem:$0x3FBA] =	sst s10  }
0x38: {  	s10 =	sld [smem:$0x3FBB]  }
0x39: {  	_ = 	snop;
	(pc) =	sbr.ind lr, $3  }
0x3a: {  	_ = 	snop  }
0x3b: {  	_ = 	snop  }
0x3c: {  	p2 =	seq.s32 s10, $0x1;
	s10 =	sld [smem:$0x3FBA]  }
0x3d: {  	_ =	shalt  }
0x3e: {  	_ =	shalt  }
0x3f: {  	_ =	shalt  }
0x40: {  	_ =	shalt  }
0x41: {  	_ =	shalt  }
0x42: {  	_ =	shalt  }
0x43: {  	_ =	shalt  }
0x44: {  	_ =	shalt  }
0x45: {  	_ =	shalt  }
0x46: {  	_ =	shalt  }
0x47: {  	_ =	shalt  }
0x48: {  	_ =	shalt  }
0x49: {  	_ =	shalt  }
0x4a: {  	_ =	shalt  }
0x4b: {  	_ =	shalt  }
0x4c: {  	_ =	shalt  }
0x4d: {  	_ =	shalt  }
0x4e: {  	_ =	shalt  }
0x4f: {  	_ =	shalt  }
0x50: {  	_ =	shalt  }
0x51: {  	_ =	shalt  }
0x52: {  	_ =	shalt  }
0x53: {  	_ =	shalt  }
0x54: {  	_ =	shalt  }
0x55: {  	_ =	shalt  }
0x56: {  	_ =	shalt  }
0x57: {  	_ =	shalt  }
0x58: {  	_ =	shalt  }
0x59: {  	_ =	shalt  }
0x5a: {  	_ =	shalt  }
0x5b: {  	_ =	shalt  }
0x5c: {  	_ =	shalt  }
0x5d: {  	_ =	shalt  }
0x5e: {  	_ =	shalt  }
0x5f: {  	_ =	shalt  }
0x60: {  	_ =	shalt  }
0x61: {  	_ =	shalt  }
0x62: {  	_ =	shalt  }
0x63: {  	_ =	shalt  }
0x64: {  	_ =	shalt  }
0x65: {  	_ =	shalt  }
0x66: {  	_ =	shalt  }
0x67: {  	_ =	shalt  }
0x68: {  	_ =	shalt  }
0x69: {  	_ =	shalt  }
0x6a: {  	_ =	shalt  }
0x6b: {  	_ =	shalt  }
0x6c: {  	_ =	shalt  }
0x6d: {  	_ =	shalt  }
0x6e: {  	_ =	shalt  }
0x6f: {  	_ =	shalt  }
0x70: {  	_ =	shalt  }
0x71: {  	_ =	shalt  }
0x72: {  	_ =	shalt  }
0x73: {  	_ =	shalt  }
0x74: {  	_ =	shalt  }
0x75: {  	_ =	shalt  }
0x76: {  	_ =	shalt  }
0x77: {  	_ =	shalt  }
0x78: {  	_ =	shalt  }
0x79: {  	_ =	shalt  }
0x7a: {  	_ =	shalt  }
0x7b: {  	_ =	shalt  }
0x7c: {  	_ =	shalt  }
0x7d: {  	_ =	shalt  }
0x7e: {  	_ =	shalt  }
0x7f: {  	_ =	shalt  }
0x80: {  	_ =	shalt  }
0x81: {  	_ =	shalt  }
0x82: {  	_ =	shalt  }
0x83: {  	_ =	shalt  }
0x84: {  	_ =	shalt  }
0x85: {  	_ =	shalt  }
0x86: {  	_ =	shalt  }
0x87: {  	_ =	shalt  }
.Lfunc_end0:
.L_simem_size_0:
called_computation_lowered:
.L_overlay_start_0:
0x88: {  	s0 =	sld [smem:$0x3FD9]  }
0x89: {  	s1 =	sld [smem:$0x3FFE];
	_ =	sdelay $0x3  }
0x8a: {  	s0 =	sadd.s32 s1, s0  }
0x8b: {  	[smem:$0x3FC6] =	sst s0  }
0x8c: {  	_ = 	snop  }
0x8d: {  	s0 =	sld [smem:$0x3FC9]  }
0x8e: {  	s17 =	sld [smem:$0x3FC8]  }
0x8f: {  	s2 =	sld [smem:$0x3FD0];
	(tm) =	ssettm $0x1  }
0x90: {  	s3 =	sld [smem:$0x3FFB];
	_ =	sdelay $0x3  }
0x91: {  	_ =	strace s3  }
0x92: {  	s3 =	sld [smem:$0x3FFC];
	_ =	sdelay $0x3  }
0x93: {  	_ =	strace s3  }
0x94: {  	s3 =	sld [smem:$0x3FFD];
	_ =	sdelay $0x3  }
0x95: {  	_ =	strace s3  }
0x96: {  	_ =	strace $0x8FFFFFFF  }
0x97: {  	s18 =	sld [smem:$0x3FDB];
	_ =	sdelay $0x1  }
0x98: {  	s4 =	simm.s32 $_scs_section_size  }
0x99: {  	s5 =	simm.s32 $_size__tile_overlayer_lowered;
	s6 =	simm.s32 $_tile_overlayer_lowered  }
0x9a: {  	s21 =	simm.s32 $0x1BFF;
	s20 =	sshll.u32 s6, $0x1;
	s3 =	sadd.s32 s4, s18  }
0x9b: {  	s7 =	simm.s32 $0x0;
	s19 =	sshll.u32 s5, $0x1;
	s5 =	sadd.s32 s20, s3  }
0x9c: {  	[timem:s7], [sflag:s21] =	dma.local [hbm:s5], s19  }
0x9d: {  	_ =	swait.ge [sflag:s21], s19  }
0x9e: {  	s4 =	ssub.s32 $0x0, s19;
	[sflag:s21] =	ssyncset.done $0x0  }
0x9f: {  	[sflag:s21] =	ssyncadd.s32 s4;
	_ =	sdelay $0x1  }
0xa0: {  	s22 =	simm.s32 $0x1B8B  }
0xa1: {  	_ =	swait.ge [sflag:s22], $0x1  }
0xa2: {  	[sflag:s22] =	ssyncset.done $0x0  }
0xa3: {  	s23 =	simm.s32 $0x1B8E;
	[sflag:s22] =	ssyncadd.s32 $0xFFFFFFFF  }
0xa4: {  	s24 =	simm.s32 $execute0_lowered;
	[smem:$0x3FD2] =	sst s23  }
0xa5: {  	s4 =	sshll.u32 s24, $0x1;
	_ =	strace $0x80000046;
	[dreg:$0x1] =	wrdreg $0xFFFFFFFF  }
0xa6: {  	s25 =	simm.s32 $_size_execute0_lowered;
	s3 =	sadd.s32 s3, s4;
	[dreg:$0x0] =	wrdreg $0x0  }
0xa7: {  	s4 =	sshll.u32 s25, $0x1;
	[dreg:$0x2] =	wrdreg s3  }
0xa8: {  	[dreg:$0x3] =	wrdreg s4  }
0xa9: {  	[dreg:$0x4] =	wrdreg $0xC0  }
0xaa: {  	_ =	task [dreg:s7], $0x5FFFF  }
0xab: {  	[dreg:$0x1] =	wrdreg $0xFFFFFFFF  }
0xac: {  	[dreg:$0x0] =	wrdreg $0x60  }
0xad: {  	[dreg:$0x2] =	wrdreg s0  }
0xae: {  	[dreg:$0x3] =	wrdreg s17  }
0xaf: {  	[dreg:$0x4] =	wrdreg s2  }
0xb0: {  	[dreg:$0x5] =	wrdreg $0x9  }
0xb1: {  	_ =	task.clear_ibuf [dreg:s7], $0x6FFFF;
	_ =	strace $0x90000046  }
0xb2: {  	s26 =	simm.s32 $0x9;
	_ =	strace $0x80000048  }
0xb3: {  	_ =	swait.ge [sflag:s26], $0x1  }
0xb4: {  	[sflag:s26] =	ssyncadd.s32 $0xFFFFFFFF  }
0xb5: {  	_ =	strace $0x90000048  }
0xb6: {  	_ =	sfence  }
0xb7: {  	s28 =	sld [smem:$0x0];
	_ =	sdelay $0x1  }
0xb8: {  	s29 =	srdreg.scid  }
0xb9: {  	s30 =	sshll.u32 s29, $0xD;
	s31 =	sshrl.u32 s29, $0x2  }
0xba: {  	s1 =	sand.u32 $0x1, s29;
	s2 =	sand.u32 $0x4000, s30;
	s0 =	sadd.s32 s31, s28  }
0xbb: {  	s1 =	sor.u32 s2, s1;
	s0 =	sshll.u32 s0, $0x11  }
0xbc: {  	s0 =	sor.u32 s0, s1  }
0xbd: {  	s0 =	sadd.s32 $0x8F2B, s0  }
0xbe: {  	[sflag:s0] =	ssyncadd.remote.s32 $0x1  }
0xbf: {  	_ =	sfence.sel $0xFFFF  }
0xc0: {  	[dreg:$0x0] =	wrdreg $0xFFFFFFFF;
	(pc) =	sbr.abs _section_cstart, $3  }
0xc1: {  	[dreg:$0x1] =	wrdreg $0xFFFFFFFF  }
0xc2: {  	_ =	task.clear_ibuf [dreg:s7], $0x2FFFF;
	_ =	strace $0x9FFFFFFF  }
0xc3: {  	(tm) =	ssettm $0x7FFFFFFF  }
tec
execute0_lowered:
.L_overlay_start_1:
0x0: {  	(tag) =	ssettag $0x1  }
0x1: {  	s5 =	rddreg [dreg:$0x0]  }
0x2: {  	s4 =	rddreg [dreg:$0x1]  }
0x3: {  	s2 =	rddreg [dreg:$0x2]  }
0x4: {  	s0 =	rddreg [dreg:$0x3];
	s3 =	simm.s32 $0x0;
	s1 =	stileid.u32  }
0x5: {  	[smem:$0x7FF] =	sst s3;
	s6 =	sshll.u32 s1, $0x3  }
0x6: {  	s26 =	simm.s32 $0x3;
	_ =	strace $0x80000047;
	s5 =	sadd.s32 s5, s6  }
0x7: {  	[tilespmem:s3], [sflag:$0x3] =	stream.linear.gather [hbm4b:s5+s3], $0x40, $0x38;
	[tilespmem:$0x18100] =	vst v63  }
0x8: {  	_ =	swait.ge [sflag:s26], $0x40  }
0x9: {  	[sflag:s26] =	ssyncset.done $0x0  }
0xa: {  	[sflag:s26] =	ssyncadd.s32 $0xFFFFFFC0  }
0xb: {  	v0 =	vld [tilespmem:$0x0];
	_ =	sdelay $0x4  }
0xc: {  	v0 =	vmul.f32 $5.000000000e+01, v0;
	_ =	sdelay $0x1  }
0xd: {  	v1 =	vld [tilespmem:$0x10];
	v0 =	vtrunc.f32 v0  }
0xe: {  	v2 =	vld [tilespmem:$0x20];
	v0 =	vcvt.f32.s32 v0  }
0xf: {  	v3 =	vld [tilespmem:$0x30]  }
0x10: {  	vm0 =	vgt.s32 v0, $0x0  }
0x11: {  	v6 =	vlaneseq.u32;
	v0 =	vnsel vm0, $0x0, v0  }
0x12: {  	v55 =	vand.u32 $0x7, v6;
	v0 =	vmin.u32 v0, $0x32  }
0x13: {  	v1 =	vmul.f32 $5.000000000e+01, v1;
	v2 =	vmul.f32 $5.000000000e+01, v2;
	v4 =	vshrl.u32 v0, $0x3  }
0x14: {  	v7 =	vshrl.u32 v6, $0x3;
	v3 =	vmul.f32 $5.000000000e+01, v3;
	v4 =	vmul.u32 $0x30, v4  }
0x15: {  	v1 =	vtrunc.f32 v1;
	v2 =	vtrunc.f32 v2;
	v5 =	vand.u32 $0x7, v0  }
0x16: {  	v3 =	vtrunc.f32 v3;
	v1 =	vcvt.f32.s32 v1;
	v4 =	vor.u32 v5, v4  }
0x17: {  	v7 =	vmul.u32 $0x8, v7;
	v2 =	vcvt.f32.s32 v2;
	v8 =	vperm.xlane v4, v55  }
0x18: {  	v3 =	vcvt.f32.s32 v3;
	vm12 =	vgt.s32 v1, $0x0  }
0x19: {  	vm13 =	vgt.s32 v2, $0x0;
	v1 =	vnsel vm12, $0x0, v1;
	v8 =	vadd.s32 v7, v8  }
0x1a: {  	vm14 =	vgt.s32 v3, $0x0;
	v57 =	vnsel vm13, $0x0, v2;
	v56 =	vmin.u32 v1, $0x32;
	[tilespmem:$0x80] =	vst v0  }
0x1b: {  	v58 =	vnsel vm14, $0x0, v3;
	v1 =	vmin.u32 v57, $0x32;
	[tilespmem:$0x90] =	vst v56  }
0x1c: {  	v59 =	vor.u32 $0x8, v6;
	[tilespmem:$0xA0] =	vst v1;
	v0 =	vmin.u32 v58, $0x32  }
0x1d: {  	vm15 =	vmmov $0xffff;
	s5 =	simm.s32 $0x100;
	[tilespmem:$0xB0] =	vst v0;
	v60 =	vperm.xlane v4, v59  }
0x1e: {  	[tilespmem:s5], [sflag:$0x1] =	stream.indirect_vreg.gather [hbm4b:s4+s3], $0x80, v8, vm15, $0xb8;
	[tilespmem:$0x18100] =	vst v63  }
0x1f: {  	s7 =	simm.s32 $0x900;
	s28 =	sadd.s32 $0x100, s4;
	v0 =	vadd.s32 v7, v60  }
0x20: {  	[tilespmem:s7], [sflag:$0x1] =	stream.indirect_vreg.gather [hbm4b:s28+s3], $0x80, v8, vm15, $0xb8;
	[tilespmem:$0x18100] =	vst v63  }
0x21: {  	s8 =	simm.s32 $0x1100;
	s29 =	sadd.s32 $0x200, s4  }
0x22: {  	[tilespmem:s8], [sflag:$0x1] =	stream.indirect_vreg.gather [hbm4b:s29+s3], $0x80, v8, vm15, $0xb8;
	[tilespmem:$0x18100] =	vst v63  }
0x23: {  	s30 =	simm.s32 $0x1900  }
0x24: {  	[tilespmem:s30], [sflag:$0x1] =	stream.indirect_vreg.gather [hbm4b:s4+s3], $0x80, v0, vm15, $0xb8;
	[tilespmem:$0x18100] =	vst v63  }
0x25: {  	s31 =	simm.s32 $0x2100  }
0x26: {  	[tilespmem:s31], [sflag:$0x1] =	stream.indirect_vreg.gather [hbm4b:s28+s3], $0x80, v0, vm15, $0xb8;
	[tilespmem:$0x18100] =	vst v63  }
0x27: {  	s9 =	simm.s32 $0x2900  }
0x28: {  	[tilespmem:s9], [sflag:$0x1] =	stream.indirect_vreg.gather [hbm4b:s29+s3], $0x80, v0, vm15, $0xb8;
	[tilespmem:$0x18100] =	vst v63  }
0x29: {  	v0 =	vld [tilespmem:$0x90];
	_ =	sdelay $0x4  }
0x2a: {  	v61 =	vshrl.u32 v0, $0x3  }
0x2b: {  	v2 =	vmul.u32 $0x30, v61  }
0x2c: {  	v0 =	vand.u32 $0x7, v0  }
0x2d: {  	v0 =	vor.u32 v0, v2  }
0x2e: {  	v2 =	vperm.xlane v0, v55;
	_ =	sdelay $0x1  }
0x2f: {  	v2 =	vadd.s32 v7, v2;
	_ =	sdelay $0x3  }
0x30: {  	s10 =	simm.s32 $0x3100;
	v0 =	vperm.xlane v0, v59  }
0x31: {  	[tilespmem:s10], [sflag:$0x1] =	stream.indirect_vreg.gather [hbm4b:s4+s3], $0x80, v2, vm15, $0xb8;
	[tilespmem:$0x18100] =	vst v63  }
0x32: {  	s11 =	simm.s32 $0x3900;
	v0 =	vadd.s32 v7, v0  }
0x33: {  	[tilespmem:s11], [sflag:$0x1] =	stream.indirect_vreg.gather [hbm4b:s28+s3], $0x80, v2, vm15, $0xb8;
	[tilespmem:$0x18100] =	vst v63  }
0x34: {  	s12 =	simm.s32 $0x4100  }
0x35: {  	[tilespmem:s12], [sflag:$0x1] =	stream.indirect_vreg.gather [hbm4b:s29+s3], $0x80, v2, vm15, $0xb8;
	[tilespmem:$0x18100] =	vst v63  }
0x36: {  	s13 =	simm.s32 $0x4900  }
0x37: {  	[tilespmem:s13], [sflag:$0x1] =	stream.indirect_vreg.gather [hbm4b:s4+s3], $0x80, v0, vm15, $0xb8;
	[tilespmem:$0x18100] =	vst v63  }
0x38: {  	s14 =	simm.s32 $0x5100  }
0x39: {  	[tilespmem:s14], [sflag:$0x1] =	stream.indirect_vreg.gather [hbm4b:s28+s3], $0x80, v0, vm15, $0xb8;
	[tilespmem:$0x18100] =	vst v63  }
0x3a: {  	s15 =	simm.s32 $0x5900  }
0x3b: {  	[tilespmem:s15], [sflag:$0x1] =	stream.indirect_vreg.gather [hbm4b:s29+s3], $0x80, v0, vm15, $0xb8;
	[tilespmem:$0x18100] =	vst v63  }
0x3c: {  	v0 =	vld [tilespmem:$0xA0];
	_ =	sdelay $0x4  }
0x3d: {  	v62 =	vshrl.u32 v0, $0x3  }
0x3e: {  	v2 =	vmul.u32 $0x30, v62  }
0x3f: {  	v0 =	vand.u32 $0x7, v0  }
0x40: {  	v0 =	vor.u32 v0, v2  }
0x41: {  	v2 =	vperm.xlane v0, v55;
	_ =	sdelay $0x1  }
0x42: {  	v2 =	vadd.s32 v7, v2;
	_ =	sdelay $0x3  }
0x43: {  	s16 =	simm.s32 $0x6100;
	v0 =	vperm.xlane v0, v59  }
0x44: {  	[tilespmem:s16], [sflag:$0x1] =	stream.indirect_vreg.gather [hbm4b:s4+s3], $0x80, v2, vm15, $0xb8;
	[tilespmem:$0x18100] =	vst v63  }
0x45: {  	s17 =	simm.s32 $0x6900;
	v0 =	vadd.s32 v7, v0  }
0x46: {  	[tilespmem:s17], [sflag:$0x1] =	stream.indirect_vreg.gather [hbm4b:s28+s3], $0x80, v2, vm15, $0xb8;
	[tilespmem:$0x18100] =	vst v63  }
0x47: {  	s18 =	simm.s32 $0x7100  }
0x48: {  	[tilespmem:s18], [sflag:$0x1] =	stream.indirect_vreg.gather [hbm4b:s29+s3], $0x80, v2, vm15, $0xb8;
	[tilespmem:$0x18100] =	vst v63  }
0x49: {  	s19 =	simm.s32 $0x7900  }
0x4a: {  	[tilespmem:s19], [sflag:$0x1] =	stream.indirect_vreg.gather [hbm4b:s4+s3], $0x80, v0, vm15, $0xb8;
	[tilespmem:$0x18100] =	vst v63  }
0x4b: {  	s20 =	simm.s32 $0x8100  }
0x4c: {  	[tilespmem:s20], [sflag:$0x1] =	stream.indirect_vreg.gather [hbm4b:s28+s3], $0x80, v0, vm15, $0xb8;
	[tilespmem:$0x18100] =	vst v63  }
0x4d: {  	s21 =	simm.s32 $0x8900  }
0x4e: {  	[tilespmem:s21], [sflag:$0x1] =	stream.indirect_vreg.gather [hbm4b:s29+s3], $0x80, v0, vm15, $0xb8;
	[tilespmem:$0x18100] =	vst v63  }
0x4f: {  	v0 =	vld [tilespmem:$0xB0];
	_ =	sdelay $0x4  }
0x50: {  	v63 =	vshrl.u32 v0, $0x3  }
0x51: {  	v2 =	vmul.u32 $0x30, v63  }
0x52: {  	v0 =	vand.u32 $0x7, v0  }
0x53: {  	v0 =	vor.u32 v0, v2  }
0x54: {  	v2 =	vperm.xlane v0, v55;
	_ =	sdelay $0x1  }
0x55: {  	v2 =	vadd.s32 v7, v2;
	_ =	sdelay $0x3  }
0x56: {  	s22 =	simm.s32 $0x9100;
	v0 =	vperm.xlane v0, v59  }
0x57: {  	[tilespmem:s22], [sflag:$0x1] =	stream.indirect_vreg.gather [hbm4b:s4+s3], $0x80, v2, vm15, $0xb8;
	[tilespmem:$0x18100] =	vst v63  }
0x58: {  	s23 =	simm.s32 $0x9900;
	v0 =	vadd.s32 v7, v0  }
0x59: {  	[tilespmem:s23], [sflag:$0x1] =	stream.indirect_vreg.gather [hbm4b:s28+s3], $0x80, v2, vm15, $0xb8;
	[tilespmem:$0x18100] =	vst v63  }
0x5a: {  	s24 =	simm.s32 $0xA100  }
0x5b: {  	[tilespmem:s24], [sflag:$0x1] =	stream.indirect_vreg.gather [hbm4b:s29+s3], $0x80, v2, vm15, $0xb8;
	[tilespmem:$0x18100] =	vst v63  }
0x5c: {  	s25 =	simm.s32 $0xA900  }
0x5d: {  	[tilespmem:s25], [sflag:$0x1] =	stream.indirect_vreg.gather [hbm4b:s4+s3], $0x80, v0, vm15, $0xb8;
	[tilespmem:$0x18100] =	vst v63  }
0x5e: {  	s26 =	simm.s32 $0xB100  }
0x5f: {  	[tilespmem:s26], [sflag:$0x1] =	stream.indirect_vreg.gather [hbm4b:s28+s3], $0x80, v0, vm15, $0xb8;
	[tilespmem:$0x18100] =	vst v63  }
0x60: {  	s28 =	simm.s32 $0xB900  }
0x61: {  	[tilespmem:s28], [sflag:$0x1] =	stream.indirect_vreg.gather [hbm4b:s29+s3], $0x80, v0, vm15, $0xb8;
	[tilespmem:$0x18100] =	vst v63  }
0x62: {  	s29 =	simm.s32 $0x1  }
0x63: {  	s30 =	smul.u32 $0x1800, s1;
	_ =	swait.ge [sflag:s29], $0xC000  }
0x64: {  	[sflag:s29] =	ssyncset.done $0x0  }
0x65: {  	s2 =	sadd.s32 s2, s30;
	s31 =	simm.s32 $0x2;
	[sflag:s29] =	ssyncadd.s32 $0xFFFF4000  }
0x66: {  	[hbm4b:s2+s3] =	stream.linear.scatter [tilespmem:s5], [sflag:$0x2], $0xC000, $0x38;
	[tilespmem:$0x18100] =	vst v63  }
0x67: {  	_ =	swait.ge [sflag:s31], $0xC000  }
0x68: {  	[sflag:s31] =	ssyncset.done $0x0  }
0x69: {  	[sflag:s31] =	ssyncadd.s32 $0xFFFF4000  }
0x6a: {  	_ =	sfence.sel $0x180000  }
0x6b: {  	[bflag:$0x0] =	sbarrier.arrive $0xFFFF  }
0x6c: {  	p0 =	sne.s32 s1, $0x0;
	_ =	strace $0x90000047  }
0x6d: {  	s0 =	sadd.s32 @!p0 $0x100000, s0;
	[bflag:$0x2] =	sbarrier.arrive $0xFFFF  }
0x6e: {  	[sflag:s0] =	ssyncadd.tile.s32 @!p0 $0x1;
	_ =	shalt  }
.Lfunc_end2:
_tile_overlayer_lowered:
.L_overlay_start_2:
0x6f: {  	(tag) =	ssettag $0x2  }
0x70: {  	s0 =	rddreg [dreg:$0x0];
	s2 =	stileid.u32  }
0x71: {  	s1 =	rddreg [dreg:$0x1];
	p0 =	sne.s32 s2, $0x0  }
0x72: {  	s3 =	rddreg [dreg:$0x2];
	[bflag:$0x3] =	sbarrier.arrive $0xFFFF;
	s2 =	simm.s32 @!p0 $0x1C03  }
0x73: {  	[timem:s3], [sflag:s2] =	dma.local @!p0 [hbm:s0], s1  }
0x74: {  	s0 =	simm.s32 @!p0 $0x3  }
0x75: {  	_ =	swait.ge @!p0 [sflag:s0], s1  }
0x76: {  	s1 =	ssub.s32 @!p0 $0x0, s1;
	[sflag:s0] =	ssyncset.done @!p0 $0x0  }
0x77: {  	[sflag:s0] =	ssyncadd.s32 @!p0 s1  }
0x78: {  	[bflag:$0x3] =	sbarrier.arrive $0xFFFF  }
0x79: {  	_ =	shalt  }

</sc_bundles>
